<compile_context>
chip_gen: v7x
topology: tpu7x:2x2x1
jax: 0.10.2.dev20260603
libtpu: 0.0.44.dev20260713+nightly
codegen_flags: <defaults>
</compile_context>

<pallas_src>
import functools

import jax
import jax.numpy as jnp
from jax import lax
from jax.experimental import pallas as pl
from jax.experimental.pallas import tpu as pltpu
from jax.experimental.pallas import tpu_sc as plsc

_N_NODES = 10000
_N_EDGES = 320000
_D = 128
_SCALE = 1.0 / (32.0 ** 0.5)

_NC = 2
_NS = 16
_NT = _NC * _NS
_CHUNK = 128
_EPT = 10240
_EPT_LAST = _N_EDGES - (_NT - 1) * _EPT
_CPT = _EPT // _CHUNK
_CPT_LAST = _EPT_LAST // _CHUNK
_IROWS = _EPT // _D
_IROWS_LAST = _EPT_LAST // _D
_IDX_BLKS = _CHUNK // _D
_ZROWS = 624
_ZROWS_LAST = _N_NODES - 15 * _ZROWS


def _scatter_body(x_hbm, idx_hbm, z_hbm, out_hbm,
                  xbuf0, xbuf1, idxbuf, acc, sem0, sem1):
    c = lax.axis_index("c")
    s = lax.axis_index("s")
    t = c * _NS + s
    is_last = t == _NT - 1
    e0 = pl.multiple_of(t * _EPT, 8)

    pltpu.async_copy(x_hbm.at[pl.ds(e0, _CHUNK)], xbuf0, sem0)
    pltpu.async_copy(x_hbm.at[pl.ds(e0 + _CHUNK, _CHUNK)], xbuf1, sem1)

    r0 = pl.multiple_of(t * _IROWS, 8)

    @pl.when(jnp.logical_not(is_last))
    def _():
        pltpu.sync_copy(idx_hbm.at[pl.ds(r0, _IROWS)], idxbuf)

    @pl.when(is_last)
    def _():
        pltpu.sync_copy(idx_hbm.at[pl.ds((_NT - 1) * _IROWS, _IROWS_LAST)],
                        idxbuf.at[pl.ds(0, _IROWS_LAST)])

    z0 = pl.multiple_of(s * _ZROWS, 8)

    @pl.when(s < 15)
    def _():
        pltpu.sync_copy(z_hbm.at[pl.ds(z0, _ZROWS)], acc.at[pl.ds(z0, _ZROWS)])

    @pl.when(s == 15)
    def _():
        pltpu.sync_copy(z_hbm.at[pl.ds(15 * _ZROWS, _ZROWS_LAST)],
                        acc.at[pl.ds(15 * _ZROWS, _ZROWS_LAST)])

    plsc.subcore_barrier()

    nq = jnp.where(is_last, _CPT_LAST, _CPT)

    @pl.loop(0, _CPT // 2)
    def _(i):
        for b in range(2):
            xb = (xbuf0, xbuf1)[b]
            sem = (sem0, sem1)[b]
            q = i * 2 + b

            @pl.when(q < nq)
            def _():
                pltpu.make_async_copy(
                    x_hbm.at[pl.ds(e0 + q * _CHUNK, _CHUNK)], xb, sem).wait()
                for j in range(_IDX_BLKS):
                    pltpu.sync_copy(xb.at[pl.ds(j * _D, _D)],
                                    acc.at[idxbuf.at[q * _IDX_BLKS + j]],
                                    add=True)

                @pl.when(q + 2 < nq)
                def _():
                    pltpu.async_copy(
                        x_hbm.at[pl.ds(e0 + (q + 2) * _CHUNK, _CHUNK)],
                        xb, sem)

    plsc.subcore_barrier()

    @pl.when(s < 15)
    def _():
        pltpu.sync_copy(acc.at[pl.ds(z0, _ZROWS)],
                        out_hbm.at[c].at[pl.ds(z0, _ZROWS)])

    @pl.when(s == 15)
    def _():
        pltpu.sync_copy(acc.at[pl.ds(15 * _ZROWS, _ZROWS_LAST)],
                        out_hbm.at[c].at[pl.ds(15 * _ZROWS, _ZROWS_LAST)])


_scatter_kernel = functools.partial(
    pl.kernel,
    mesh=plsc.VectorSubcoreMesh(core_axis_name="c", subcore_axis_name="s"),
    out_type=jax.ShapeDtypeStruct((_NC, _N_NODES, _D), jnp.float32),
    scratch_types=[
        pltpu.VMEM((_CHUNK, _D), jnp.float32),
        pltpu.VMEM((_CHUNK, _D), jnp.float32),
        pltpu.VMEM((_IROWS, _D), jnp.int32),
        pltpu.VMEM_SHARED((_N_NODES, _D), jnp.float32),
        pltpu.SemaphoreType.DMA,
        pltpu.SemaphoreType.DMA,
    ],
)(_scatter_body)


def _combine_body(p_ref, o_ref):
    o_ref[...] = (p_ref[0] + p_ref[1]) * _SCALE


_combine = pl.pallas_call(
    _combine_body,
    grid=(10,),
    in_specs=[pl.BlockSpec((2, _N_NODES // 10, _D), lambda i: (0, i, 0))],
    out_specs=pl.BlockSpec((_N_NODES // 10, _D), lambda i: (i, 0)),
    out_shape=jax.ShapeDtypeStruct((_N_NODES, _D), jnp.float32),
)


@jax.jit
def kernel(x, index):
    zeros = jnp.zeros((_N_NODES, _D), jnp.float32)
    idx2d = index.astype(jnp.int32).reshape(_N_EDGES // _D, _D)
    partials = _scatter_kernel(x, idx2d, zeros)
    return _combine(partials)

# --- scband reference (transcript-rebuilt; emitter-appended) ---
"""Pipeline reference for scband-scaled-scatter-38336878084776 (READ-ONLY COPY).

The authoritative reference and input builder live on the scoring server;
editing this copy changes nothing except your own understanding.
"""

import jax, jax.numpy as jnp
import numpy as np

N_NODES = 10000
N_EDGES = 320000
D_FEAT = 128
AVG_AGGREGATE_NUM = 32.0


def setup_inputs(seed: int = 0) -> dict:
    key = jax.random.key(seed)
    k1, k2 = jax.random.split(key)
    x = jax.random.normal(k1, (N_EDGES, D_FEAT), dtype=jnp.float32)
    index = jax.random.randint(k2, (N_EDGES,), 0, N_NODES, dtype=jnp.int32)
    return {"x": x, "index": index}


def reference(x, index):
    # scatter(x, index, dim=0, reduce='sum', dim_size=N_NODES)
    out = jax.ops.segment_sum(x, index, num_segments=N_NODES)
    # out = out.div(avg_aggregate_num ** 0.5)
    out = out / jnp.sqrt(jnp.float32(AVG_AGGREGATE_NUM))
    return out

if __name__ == "__main__":
    import jax
    _d = setup_inputs()
    print(jax.jit(kernel)(*tuple(_d.values())))

</pallas_src>

<mosaic_0001>
#map = affine_map<(d0, d1) -> (0, 0)>
#map1 = affine_map<(d0, d1) -> (0, 0, 0)>
module attributes {stable_mosaic.version = 14 : i64} {
  func.func @_scatter_body(%arg0: i32, %arg1: i32, %arg2: memref<320000x128xf32, #tpu.memory_space<hbm>>, %arg3: memref<2500x128xi32, #tpu.memory_space<hbm>>, %arg4: memref<10000x128xf32, #tpu.memory_space<hbm>>, %arg5: memref<2x10000x128xf32, #tpu.memory_space<hbm>>, %arg6: memref<128x128xf32, #tpu.memory_space<vmem>>, %arg7: memref<128x128xf32, #tpu.memory_space<vmem>>, %arg8: memref<80x128xi32, #tpu.memory_space<vmem>>, %arg9: memref<10000x128xf32, #tpu.memory_space<vmem_shared>>, %arg10: memref<!tpu.dma_semaphore, #tpu.memory_space<semaphore_mem>>, %arg11: memref<!tpu.dma_semaphore, #tpu.memory_space<semaphore_mem>>) attributes {dimension_semantics = [#tpu.dimension_semantics<core_parallel>, #tpu.dimension_semantics<subcore_parallel>], iteration_bounds = array<i64: 2, 16>, scalar_prefetch = 0 : i64, scratch_operands = 6 : i64, tpu.core_type = #tpu.core_type<sc_vector_subcore>, window_params = [{transform_indices = #map}, {transform_indices = #map}, {transform_indices = #map}, {transform_indices = #map1}]} {
    %mul3A = arith.constant 16 : i32
    %mul3A_0 = arith.muli %arg0, %mul3A : i32
    %add3A = arith.addi %mul3A_0, %arg1 : i32
    %eq3A = arith.constant 31 : i32
    %eq3A_1 = arith.cmpi eq, %add3A, %eq3A : i32
    %mul3A_2 = arith.constant 10240 : i32
    %mul3A_3 = arith.muli %add3A, %mul3A_2 : i32
    %multiple_of3A = tpu.assume_multiple %mul3A_3, 8 : i32
    %dma_start3A = arith.constant 0 : i32
    %dma_start3A_4 = tpu.memref_slice %arg2[%multiple_of3A, %dma_start3A] : memref<320000x128xf32, #tpu.memory_space<hbm>> -> memref<128x128xf32, #tpu.memory_space<hbm>>
    %dma_start3A_5 = arith.constant 0 : i32
    %dma_start3A_6 = tpu.memref_slice %arg2[%multiple_of3A, %dma_start3A_5] : memref<320000x128xf32, #tpu.memory_space<hbm>> -> memref<128x128xf32, #tpu.memory_space<hbm>>
    tpu.enqueue_dma source(%dma_start3A_6 : memref<128x128xf32, #tpu.memory_space<hbm>>) target(%arg6 : memref<128x128xf32, #tpu.memory_space<vmem>>) target_semaphore(%arg10 : memref<!tpu.dma_semaphore, #tpu.memory_space<semaphore_mem>>)
    %add3A_7 = arith.constant 128 : i32
    %add3A_8 = arith.addi %multiple_of3A, %add3A_7 : i32
    %dma_start3A_9 = arith.constant 0 : i32
    %dma_start3A_10 = tpu.memref_slice %arg2[%add3A_8, %dma_start3A_9] : memref<320000x128xf32, #tpu.memory_space<hbm>> -> memref<128x128xf32, #tpu.memory_space<hbm>>
    %dma_start3A_11 = arith.constant 0 : i32
    %dma_start3A_12 = tpu.memref_slice %arg2[%add3A_8, %dma_start3A_11] : memref<320000x128xf32, #tpu.memory_space<hbm>> -> memref<128x128xf32, #tpu.memory_space<hbm>>
    tpu.enqueue_dma source(%dma_start3A_12 : memref<128x128xf32, #tpu.memory_space<hbm>>) target(%arg7 : memref<128x128xf32, #tpu.memory_space<vmem>>) target_semaphore(%arg11 : memref<!tpu.dma_semaphore, #tpu.memory_space<semaphore_mem>>)
    %mul3A_13 = arith.constant 80 : i32
    %mul3A_14 = arith.muli %add3A, %mul3A_13 : i32
    %multiple_of3A_15 = tpu.assume_multiple %mul3A_14, 8 : i32
    %not3A = arith.constant true
    %not3A_16 = arith.xori %eq3A_1, %not3A : i1
    %convert_element_type3A = arith.extui %not3A_16 : i1 to i32
    %cond3A = arith.constant 0 : i32
    %cond3A_17 = arith.cmpi ne, %convert_element_type3A, %cond3A : i32
    scf.if %cond3A_17 {
      "tpu.region"() ({
        %run_scoped3A = tpu.sem_alloc : memref<!tpu.dma_semaphore, #tpu.memory_space<semaphore_mem>>
        %dma_start3A_49 = arith.constant 0 : i32
        %dma_start3A_50 = tpu.memref_slice %arg3[%multiple_of3A_15, %dma_start3A_49] : memref<2500x128xi32, #tpu.memory_space<hbm>> -> memref<80x128xi32, #tpu.memory_space<hbm>>
        %dma_start3A_51 = arith.constant 0 : i32
        %dma_start3A_52 = tpu.memref_slice %arg3[%multiple_of3A_15, %dma_start3A_51] : memref<2500x128xi32, #tpu.memory_space<hbm>> -> memref<80x128xi32, #tpu.memory_space<hbm>>
        tpu.enqueue_dma source(%dma_start3A_52 : memref<80x128xi32, #tpu.memory_space<hbm>>) target(%arg8 : memref<80x128xi32, #tpu.memory_space<vmem>>) target_semaphore(%run_scoped3A : memref<!tpu.dma_semaphore, #tpu.memory_space<semaphore_mem>>)
        %dma_wait3A = arith.constant 0 : i32
        %dma_wait3A_53 = tpu.memref_slice %arg3[%multiple_of3A_15, %dma_wait3A] : memref<2500x128xi32, #tpu.memory_space<hbm>> -> memref<80x128xi32, #tpu.memory_space<hbm>>
        %dma_wait3A_54 = arith.constant 0 : i32
        %dma_wait3A_55 = tpu.memref_slice %arg3[%multiple_of3A_15, %dma_wait3A_54] : memref<2500x128xi32, #tpu.memory_space<hbm>> -> memref<80x128xi32, #tpu.memory_space<hbm>>
        tpu.wait_dma2 semaphore(%run_scoped3A : memref<!tpu.dma_semaphore, #tpu.memory_space<semaphore_mem>>) src(%dma_wait3A_55 : memref<80x128xi32, #tpu.memory_space<hbm>>) dst(%arg8 : memref<80x128xi32, #tpu.memory_space<vmem>>)
        tpu.yield
      }) : () -> ()
    } else {
    }
    %convert_element_type3A_18 = arith.extui %eq3A_1 : i1 to i32
    %cond3A_19 = arith.constant 0 : i32
    %cond3A_20 = arith.cmpi ne, %convert_element_type3A_18, %cond3A_19 : i32
    scf.if %cond3A_20 {
      "tpu.region"() ({
        %run_scoped3A = tpu.sem_alloc : memref<!tpu.dma_semaphore, #tpu.memory_space<semaphore_mem>>
        %dma_start3A_49 = arith.constant 0 : i32
        %dma_start3A_50 = arith.constant 0 : i32
        %dma_start3A_51 = tpu.memref_slice %arg8[%dma_start3A_49, %dma_start3A_50] : memref<80x128xi32, #tpu.memory_space<vmem>> -> memref<20x128xi32, #tpu.memory_space<vmem>>
        %dma_start3A_52 = arith.constant 2480 : i32
        %dma_start3A_53 = arith.constant 0 : i32
        %dma_start3A_54 = tpu.memref_slice %arg3[%dma_start3A_52, %dma_start3A_53] : memref<2500x128xi32, #tpu.memory_space<hbm>> -> memref<20x128xi32, #tpu.memory_space<hbm>>
        %dma_start3A_55 = arith.constant 0 : i32
        %dma_start3A_56 = arith.constant 0 : i32
        %dma_start3A_57 = tpu.memref_slice %arg8[%dma_start3A_55, %dma_start3A_56] : memref<80x128xi32, #tpu.memory_space<vmem>> -> memref<20x128xi32, #tpu.memory_space<vmem>>
        %dma_start3A_58 = arith.constant 2480 : i32
        %dma_start3A_59 = arith.constant 0 : i32
        %dma_start3A_60 = tpu.memref_slice %arg3[%dma_start3A_58, %dma_start3A_59] : memref<2500x128xi32, #tpu.memory_space<hbm>> -> memref<20x128xi32, #tpu.memory_space<hbm>>
        tpu.enqueue_dma source(%dma_start3A_60 : memref<20x128xi32, #tpu.memory_space<hbm>>) target(%dma_start3A_57 : memref<20x128xi32, #tpu.memory_space<vmem>>) target_semaphore(%run_scoped3A : memref<!tpu.dma_semaphore, #tpu.memory_space<semaphore_mem>>)
        %dma_wait3A = arith.constant 0 : i32
        %dma_wait3A_61 = arith.constant 0 : i32
        %dma_wait3A_62 = tpu.memref_slice %arg8[%dma_wait3A, %dma_wait3A_61] : memref<80x128xi32, #tpu.memory_space<vmem>> -> memref<20x128xi32, #tpu.memory_space<vmem>>
        %dma_wait3A_63 = arith.constant 2480 : i32
        %dma_wait3A_64 = arith.constant 0 : i32
        %dma_wait3A_65 = tpu.memref_slice %arg3[%dma_wait3A_63, %dma_wait3A_64] : memref<2500x128xi32, #tpu.memory_space<hbm>> -> memref<20x128xi32, #tpu.memory_space<hbm>>
        %dma_wait3A_66 = arith.constant 0 : i32
        %dma_wait3A_67 = arith.constant 0 : i32
        %dma_wait3A_68 = tpu.memref_slice %arg8[%dma_wait3A_66, %dma_wait3A_67] : memref<80x128xi32, #tpu.memory_space<vmem>> -> memref<20x128xi32, #tpu.memory_space<vmem>>
        %dma_wait3A_69 = arith.constant 2480 : i32
        %dma_wait3A_70 = arith.constant 0 : i32
        %dma_wait3A_71 = tpu.memref_slice %arg3[%dma_wait3A_69, %dma_wait3A_70] : memref<2500x128xi32, #tpu.memory_space<hbm>> -> memref<20x128xi32, #tpu.memory_space<hbm>>
        tpu.wait_dma2 semaphore(%run_scoped3A : memref<!tpu.dma_semaphore, #tpu.memory_space<semaphore_mem>>) src(%dma_wait3A_71 : memref<20x128xi32, #tpu.memory_space<hbm>>) dst(%dma_wait3A_68 : memref<20x128xi32, #tpu.memory_space<vmem>>)
        tpu.yield
      }) : () -> ()
    } else {
    }
    %mul3A_21 = arith.constant 624 : i32
    %mul3A_22 = arith.muli %arg1, %mul3A_21 : i32
    %multiple_of3A_23 = tpu.assume_multiple %mul3A_22, 8 : i32
    %lt3A = arith.constant 15 : i32
    %lt3A_24 = arith.cmpi slt, %arg1, %lt3A : i32
    %convert_element_type3A_25 = arith.extui %lt3A_24 : i1 to i32
    %cond3A_26 = arith.constant 0 : i32
    %cond3A_27 = arith.cmpi ne, %convert_element_type3A_25, %cond3A_26 : i32
    scf.if %cond3A_27 {
      "tpu.region"() ({
        %run_scoped3A = tpu.sem_alloc : memref<!tpu.dma_semaphore, #tpu.memory_space<semaphore_mem>>
        %dma_start3A_49 = arith.constant 0 : i32
        %dma_start3A_50 = tpu.memref_slice %arg9[%multiple_of3A_23, %dma_start3A_49] : memref<10000x128xf32, #tpu.memory_space<vmem_shared>> -> memref<624x128xf32, #tpu.memory_space<vmem_shared>>
        %dma_start3A_51 = arith.constant 0 : i32
        %dma_start3A_52 = tpu.memref_slice %arg4[%multiple_of3A_23, %dma_start3A_51] : memref<10000x128xf32, #tpu.memory_space<hbm>> -> memref<624x128xf32, #tpu.memory_space<hbm>>
        tpu.enqueue_dma source(%dma_start3A_52 : memref<624x128xf32, #tpu.memory_space<hbm>>) target(%dma_start3A_50 : memref<624x128xf32, #tpu.memory_space<vmem_shared>>) target_semaphore(%run_scoped3A : memref<!tpu.dma_semaphore, #tpu.memory_space<semaphore_mem>>)
        %dma_wait3A = arith.constant 0 : i32
        %dma_wait3A_53 = tpu.memref_slice %arg9[%multiple_of3A_23, %dma_wait3A] : memref<10000x128xf32, #tpu.memory_space<vmem_shared>> -> memref<624x128xf32, #tpu.memory_space<vmem_shared>>
        %dma_wait3A_54 = arith.constant 0 : i32
        %dma_wait3A_55 = tpu.memref_slice %arg4[%multiple_of3A_23, %dma_wait3A_54] : memref<10000x128xf32, #tpu.memory_space<hbm>> -> memref<624x128xf32, #tpu.memory_space<hbm>>
        tpu.wait_dma2 semaphore(%run_scoped3A : memref<!tpu.dma_semaphore, #tpu.memory_space<semaphore_mem>>) src(%dma_wait3A_55 : memref<624x128xf32, #tpu.memory_space<hbm>>) dst(%dma_wait3A_53 : memref<624x128xf32, #tpu.memory_space<vmem_shared>>)
        tpu.yield
      }) : () -> ()
    } else {
    }
    %eq3A_28 = arith.constant 15 : i32
    %eq3A_29 = arith.cmpi eq, %arg1, %eq3A_28 : i32
    %convert_element_type3A_30 = arith.extui %eq3A_29 : i1 to i32
    %cond3A_31 = arith.constant 0 : i32
    %cond3A_32 = arith.cmpi ne, %convert_element_type3A_30, %cond3A_31 : i32
    scf.if %cond3A_32 {
      "tpu.region"() ({
        %run_scoped3A = tpu.sem_alloc : memref<!tpu.dma_semaphore, #tpu.memory_space<semaphore_mem>>
        %dma_start3A_49 = arith.constant 9360 : i32
        %dma_start3A_50 = arith.constant 0 : i32
        %dma_start3A_51 = tpu.memref_slice %arg9[%dma_start3A_49, %dma_start3A_50] : memref<10000x128xf32, #tpu.memory_space<vmem_shared>> -> memref<640x128xf32, #tpu.memory_space<vmem_shared>>
        %dma_start3A_52 = arith.constant 9360 : i32
        %dma_start3A_53 = arith.constant 0 : i32
        %dma_start3A_54 = tpu.memref_slice %arg4[%dma_start3A_52, %dma_start3A_53] : memref<10000x128xf32, #tpu.memory_space<hbm>> -> memref<640x128xf32, #tpu.memory_space<hbm>>
        tpu.enqueue_dma source(%dma_start3A_54 : memref<640x128xf32, #tpu.memory_space<hbm>>) target(%dma_start3A_51 : memref<640x128xf32, #tpu.memory_space<vmem_shared>>) target_semaphore(%run_scoped3A : memref<!tpu.dma_semaphore, #tpu.memory_space<semaphore_mem>>)
        %dma_wait3A = arith.constant 9360 : i32
        %dma_wait3A_55 = arith.constant 0 : i32
        %dma_wait3A_56 = tpu.memref_slice %arg9[%dma_wait3A, %dma_wait3A_55] : memref<10000x128xf32, #tpu.memory_space<vmem_shared>> -> memref<640x128xf32, #tpu.memory_space<vmem_shared>>
        %dma_wait3A_57 = arith.constant 9360 : i32
        %dma_wait3A_58 = arith.constant 0 : i32
        %dma_wait3A_59 = tpu.memref_slice %arg4[%dma_wait3A_57, %dma_wait3A_58] : memref<10000x128xf32, #tpu.memory_space<hbm>> -> memref<640x128xf32, #tpu.memory_space<hbm>>
        tpu.wait_dma2 semaphore(%run_scoped3A : memref<!tpu.dma_semaphore, #tpu.memory_space<semaphore_mem>>) src(%dma_wait3A_59 : memref<640x128xf32, #tpu.memory_space<hbm>>) dst(%dma_wait3A_56 : memref<640x128xf32, #tpu.memory_space<vmem_shared>>)
        tpu.yield
      }) : () -> ()
    } else {
    }
    %barrier3A = arith.constant 0 : index
    tpu.barrier barrier_id(%barrier3A)
    %jit3A = arith.constant 20 : i32
    %jit3A_33 = arith.constant 80 : i32
    %select_n3A = arith.select %eq3A_1, %jit3A, %jit3A_33 : i32
    %scan3A = arith.constant 0 : i32
    %scan3A_34 = arith.constant 40 : i32
    %scan3A_35 = arith.addi %scan3A, %scan3A_34 : i32
    %scan3A_36 = arith.constant 1 : i32
    scf.for %scan3A_49 = %scan3A to %scan3A_35 step %scan3A_36  : i32 {
      %mul3A_50 = arith.constant 1 : i32
      %mul3A_51 = arith.muli %scan3A_49, %mul3A_50 : i32
      %add3A_52 = arith.constant 0 : i32
      %add3A_53 = arith.addi %add3A_52, %mul3A_51 : i32
      %mul3A_54 = arith.constant 2 : i32
      %mul3A_55 = arith.muli %add3A_53, %mul3A_54 : i32
      %add3A_56 = arith.constant 0 : i32
      %add3A_57 = arith.addi %mul3A_55, %add3A_56 : i32
      %lt3A_58 = arith.cmpi slt, %add3A_57, %select_n3A : i32
      %convert_element_type3A_59 = arith.extui %lt3A_58 : i1 to i32
      %cond3A_60 = arith.constant 0 : i32
      %cond3A_61 = arith.cmpi ne, %convert_element_type3A_59, %cond3A_60 : i32
      scf.if %cond3A_61 {
        %mul3A_70 = arith.constant 128 : i32
        %mul3A_71 = arith.muli %add3A_57, %mul3A_70 : i32
        %add3A_72 = arith.addi %multiple_of3A, %mul3A_71 : i32
        %dma_wait3A = arith.constant 0 : i32
        %dma_wait3A_73 = tpu.memref_slice %arg2[%add3A_72, %dma_wait3A] : memref<320000x128xf32, #tpu.memory_space<hbm>> -> memref<128x128xf32, #tpu.memory_space<hbm>>
        %dma_wait3A_74 = arith.constant 0 : i32
        %dma_wait3A_75 = tpu.memref_slice %arg2[%add3A_72, %dma_wait3A_74] : memref<320000x128xf32, #tpu.memory_space<hbm>> -> memref<128x128xf32, #tpu.memory_space<hbm>>
        tpu.wait_dma2 semaphore(%arg10 : memref<!tpu.dma_semaphore, #tpu.memory_space<semaphore_mem>>) src(%dma_wait3A_75 : memref<128x128xf32, #tpu.memory_space<hbm>>) dst(%arg6 : memref<128x128xf32, #tpu.memory_space<vmem>>)
        %mul3A_76 = arith.constant 1 : i32
        %mul3A_77 = arith.muli %add3A_57, %mul3A_76 : i32
        %add3A_78 = arith.constant 0 : i32
        %add3A_79 = arith.addi %mul3A_77, %add3A_78 : i32
        "tpu.region"() ({
          %run_scoped3A = tpu.sem_alloc : memref<!tpu.dma_semaphore, #tpu.memory_space<semaphore_mem>>
          %dma_start3A_86 = arith.constant 0 : i32
          %dma_start3A_87 = arith.constant 0 : i32
          %dma_start3A_88 = tpu.memref_slice %arg6[%dma_start3A_86, %dma_start3A_87] : memref<128x128xf32, #tpu.memory_space<vmem>> -> memref<128x128xf32, #tpu.memory_space<vmem>>
          %dma_start3A_89 = arith.constant 0 : i32
          %dma_start3A_90 = tpu.memref_slice %arg8[%add3A_79, %dma_start3A_89] : memref<80x128xi32, #tpu.memory_space<vmem>> -> memref<1x128xi32, #tpu.memory_space<vmem>>
          %dma_start3A_91 = tpu.memref_squeeze %dma_start3A_90 : memref<1x128xi32, #tpu.memory_space<vmem>> -> memref<128xi32, #tpu.memory_space<vmem>>
          %dma_start3A_92 = arith.constant 0 : i32
          %dma_start3A_93 = arith.constant 0 : i32
          %dma_start3A_94 = tpu.memref_slice %arg9[%dma_start3A_92, %dma_start3A_93] : memref<10000x128xf32, #tpu.memory_space<vmem_shared>> -> memref<10000x128xf32, #tpu.memory_space<vmem_shared>>
          tpu.enqueue_indirect_dma source(%dma_start3A_88 : memref<128x128xf32, #tpu.memory_space<vmem>>) target(%dma_start3A_94 : memref<10000x128xf32, #tpu.memory_space<vmem_shared>>) offsets(%dma_start3A_91 : memref<128xi32, #tpu.memory_space<vmem>>) semaphore(%run_scoped3A : memref<!tpu.dma_semaphore, #tpu.memory_space<semaphore_mem>>) {add = true}
          %dma_wait3A_95 = arith.constant 0 : i32
          %dma_wait3A_96 = arith.constant 0 : i32
          %dma_wait3A_97 = tpu.memref_slice %arg6[%dma_wait3A_95, %dma_wait3A_96] : memref<128x128xf32, #tpu.memory_space<vmem>> -> memref<128x128xf32, #tpu.memory_space<vmem>>
          %dma_wait3A_98 = arith.constant 0 : i32
          %dma_wait3A_99 = tpu.memref_slice %arg8[%add3A_79, %dma_wait3A_98] : memref<80x128xi32, #tpu.memory_space<vmem>> -> memref<1x128xi32, #tpu.memory_space<vmem>>
          %dma_wait3A_100 = tpu.memref_squeeze %dma_wait3A_99 : memref<1x128xi32, #tpu.memory_space<vmem>> -> memref<128xi32, #tpu.memory_space<vmem>>
          %dma_wait3A_101 = arith.constant 0 : i32
          %dma_wait3A_102 = arith.constant 0 : i32
          %dma_wait3A_103 = tpu.memref_slice %arg9[%dma_wait3A_101, %dma_wait3A_102] : memref<10000x128xf32, #tpu.memory_space<vmem_shared>> -> memref<10000x128xf32, #tpu.memory_space<vmem_shared>>
          tpu.wait_indirect_dma semaphore(%run_scoped3A : memref<!tpu.dma_semaphore, #tpu.memory_space<semaphore_mem>>) src(%dma_wait3A_97 : memref<128x128xf32, #tpu.memory_space<vmem>>) dst(%dma_wait3A_103 : memref<10000x128xf32, #tpu.memory_space<vmem_shared>>)
          tpu.yield
        }) : () -> ()
        %add3A_80 = arith.constant 2 : i32
        %add3A_81 = arith.addi %add3A_57, %add3A_80 : i32
        %lt3A_82 = arith.cmpi slt, %add3A_81, %select_n3A : i32
        %convert_element_type3A_83 = arith.extui %lt3A_82 : i1 to i32
        %cond3A_84 = arith.constant 0 : i32
        %cond3A_85 = arith.cmpi ne, %convert_element_type3A_83, %cond3A_84 : i32
        scf.if %cond3A_85 {
          %add3A_86 = arith.constant 2 : i32
          %add3A_87 = arith.addi %add3A_57, %add3A_86 : i32
          %mul3A_88 = arith.constant 128 : i32
          %mul3A_89 = arith.muli %add3A_87, %mul3A_88 : i32
          %add3A_90 = arith.addi %multiple_of3A, %mul3A_89 : i32
          %dma_start3A_91 = arith.constant 0 : i32
          %dma_start3A_92 = tpu.memref_slice %arg2[%add3A_90, %dma_start3A_91] : memref<320000x128xf32, #tpu.memory_space<hbm>> -> memref<128x128xf32, #tpu.memory_space<hbm>>
          %dma_start3A_93 = arith.constant 0 : i32
          %dma_start3A_94 = tpu.memref_slice %arg2[%add3A_90, %dma_start3A_93] : memref<320000x128xf32, #tpu.memory_space<hbm>> -> memref<128x128xf32, #tpu.memory_space<hbm>>
          tpu.enqueue_dma source(%dma_start3A_94 : memref<128x128xf32, #tpu.memory_space<hbm>>) target(%arg6 : memref<128x128xf32, #tpu.memory_space<vmem>>) target_semaphore(%arg10 : memref<!tpu.dma_semaphore, #tpu.memory_space<semaphore_mem>>)
        } else {
        }
      } else {
      }
      %mul3A_62 = arith.constant 2 : i32
      %mul3A_63 = arith.muli %add3A_53, %mul3A_62 : i32
      %add3A_64 = arith.constant 1 : i32
      %add3A_65 = arith.addi %mul3A_63, %add3A_64 : i32
      %lt3A_66 = arith.cmpi slt, %add3A_65, %select_n3A : i32
      %convert_element_type3A_67 = arith.extui %lt3A_66 : i1 to i32
      %cond3A_68 = arith.constant 0 : i32
      %cond3A_69 = arith.cmpi ne, %convert_element_type3A_67, %cond3A_68 : i32
      scf.if %cond3A_69 {
        %mul3A_70 = arith.constant 128 : i32
        %mul3A_71 = arith.muli %add3A_65, %mul3A_70 : i32
        %add3A_72 = arith.addi %multiple_of3A, %mul3A_71 : i32
        %dma_wait3A = arith.constant 0 : i32
        %dma_wait3A_73 = tpu.memref_slice %arg2[%add3A_72, %dma_wait3A] : memref<320000x128xf32, #tpu.memory_space<hbm>> -> memref<128x128xf32, #tpu.memory_space<hbm>>
        %dma_wait3A_74 = arith.constant 0 : i32
        %dma_wait3A_75 = tpu.memref_slice %arg2[%add3A_72, %dma_wait3A_74] : memref<320000x128xf32, #tpu.memory_space<hbm>> -> memref<128x128xf32, #tpu.memory_space<hbm>>
        tpu.wait_dma2 semaphore(%arg11 : memref<!tpu.dma_semaphore, #tpu.memory_space<semaphore_mem>>) src(%dma_wait3A_75 : memref<128x128xf32, #tpu.memory_space<hbm>>) dst(%arg7 : memref<128x128xf32, #tpu.memory_space<vmem>>)
        %mul3A_76 = arith.constant 1 : i32
        %mul3A_77 = arith.muli %add3A_65, %mul3A_76 : i32
        %add3A_78 = arith.constant 0 : i32
        %add3A_79 = arith.addi %mul3A_77, %add3A_78 : i32
        "tpu.region"() ({
          %run_scoped3A = tpu.sem_alloc : memref<!tpu.dma_semaphore, #tpu.memory_space<semaphore_mem>>
          %dma_start3A_86 = arith.constant 0 : i32
          %dma_start3A_87 = arith.constant 0 : i32
          %dma_start3A_88 = tpu.memref_slice %arg7[%dma_start3A_86, %dma_start3A_87] : memref<128x128xf32, #tpu.memory_space<vmem>> -> memref<128x128xf32, #tpu.memory_space<vmem>>
          %dma_start3A_89 = arith.constant 0 : i32
          %dma_start3A_90 = tpu.memref_slice %arg8[%add3A_79, %dma_start3A_89] : memref<80x128xi32, #tpu.memory_space<vmem>> -> memref<1x128xi32, #tpu.memory_space<vmem>>
          %dma_start3A_91 = tpu.memref_squeeze %dma_start3A_90 : memref<1x128xi32, #tpu.memory_space<vmem>> -> memref<128xi32, #tpu.memory_space<vmem>>
          %dma_start3A_92 = arith.constant 0 : i32
          %dma_start3A_93 = arith.constant 0 : i32
          %dma_start3A_94 = tpu.memref_slice %arg9[%dma_start3A_92, %dma_start3A_93] : memref<10000x128xf32, #tpu.memory_space<vmem_shared>> -> memref<10000x128xf32, #tpu.memory_space<vmem_shared>>
          tpu.enqueue_indirect_dma source(%dma_start3A_88 : memref<128x128xf32, #tpu.memory_space<vmem>>) target(%dma_start3A_94 : memref<10000x128xf32, #tpu.memory_space<vmem_shared>>) offsets(%dma_start3A_91 : memref<128xi32, #tpu.memory_space<vmem>>) semaphore(%run_scoped3A : memref<!tpu.dma_semaphore, #tpu.memory_space<semaphore_mem>>) {add = true}
          %dma_wait3A_95 = arith.constant 0 : i32
          %dma_wait3A_96 = arith.constant 0 : i32
          %dma_wait3A_97 = tpu.memref_slice %arg7[%dma_wait3A_95, %dma_wait3A_96] : memref<128x128xf32, #tpu.memory_space<vmem>> -> memref<128x128xf32, #tpu.memory_space<vmem>>
          %dma_wait3A_98 = arith.constant 0 : i32
          %dma_wait3A_99 = tpu.memref_slice %arg8[%add3A_79, %dma_wait3A_98] : memref<80x128xi32, #tpu.memory_space<vmem>> -> memref<1x128xi32, #tpu.memory_space<vmem>>
          %dma_wait3A_100 = tpu.memref_squeeze %dma_wait3A_99 : memref<1x128xi32, #tpu.memory_space<vmem>> -> memref<128xi32, #tpu.memory_space<vmem>>
          %dma_wait3A_101 = arith.constant 0 : i32
          %dma_wait3A_102 = arith.constant 0 : i32
          %dma_wait3A_103 = tpu.memref_slice %arg9[%dma_wait3A_101, %dma_wait3A_102] : memref<10000x128xf32, #tpu.memory_space<vmem_shared>> -> memref<10000x128xf32, #tpu.memory_space<vmem_shared>>
          tpu.wait_indirect_dma semaphore(%run_scoped3A : memref<!tpu.dma_semaphore, #tpu.memory_space<semaphore_mem>>) src(%dma_wait3A_97 : memref<128x128xf32, #tpu.memory_space<vmem>>) dst(%dma_wait3A_103 : memref<10000x128xf32, #tpu.memory_space<vmem_shared>>)
          tpu.yield
        }) : () -> ()
        %add3A_80 = arith.constant 2 : i32
        %add3A_81 = arith.addi %add3A_65, %add3A_80 : i32
        %lt3A_82 = arith.cmpi slt, %add3A_81, %select_n3A : i32
        %convert_element_type3A_83 = arith.extui %lt3A_82 : i1 to i32
        %cond3A_84 = arith.constant 0 : i32
        %cond3A_85 = arith.cmpi ne, %convert_element_type3A_83, %cond3A_84 : i32
        scf.if %cond3A_85 {
          %add3A_86 = arith.constant 2 : i32
          %add3A_87 = arith.addi %add3A_65, %add3A_86 : i32
          %mul3A_88 = arith.constant 128 : i32
          %mul3A_89 = arith.muli %add3A_87, %mul3A_88 : i32
          %add3A_90 = arith.addi %multiple_of3A, %mul3A_89 : i32
          %dma_start3A_91 = arith.constant 0 : i32
          %dma_start3A_92 = tpu.memref_slice %arg2[%add3A_90, %dma_start3A_91] : memref<320000x128xf32, #tpu.memory_space<hbm>> -> memref<128x128xf32, #tpu.memory_space<hbm>>
          %dma_start3A_93 = arith.constant 0 : i32
          %dma_start3A_94 = tpu.memref_slice %arg2[%add3A_90, %dma_start3A_93] : memref<320000x128xf32, #tpu.memory_space<hbm>> -> memref<128x128xf32, #tpu.memory_space<hbm>>
          tpu.enqueue_dma source(%dma_start3A_94 : memref<128x128xf32, #tpu.memory_space<hbm>>) target(%arg7 : memref<128x128xf32, #tpu.memory_space<vmem>>) target_semaphore(%arg11 : memref<!tpu.dma_semaphore, #tpu.memory_space<semaphore_mem>>)
        } else {
        }
      } else {
      }
    }
    %scan3A_37 = arith.constant 40 : i32
    %barrier3A_38 = arith.constant 0 : index
    tpu.barrier barrier_id(%barrier3A_38)
    %lt3A_39 = arith.constant 15 : i32
    %lt3A_40 = arith.cmpi slt, %arg1, %lt3A_39 : i32
    %convert_element_type3A_41 = arith.extui %lt3A_40 : i1 to i32
    %cond3A_42 = arith.constant 0 : i32
    %cond3A_43 = arith.cmpi ne, %convert_element_type3A_41, %cond3A_42 : i32
    scf.if %cond3A_43 {
      "tpu.region"() ({
        %run_scoped3A = tpu.sem_alloc : memref<!tpu.dma_semaphore, #tpu.memory_space<semaphore_mem>>
        %dma_start3A_49 = arith.constant 0 : i32
        %dma_start3A_50 = arith.constant 0 : i32
        %dma_start3A_51 = tpu.memref_slice %arg5[%arg0, %dma_start3A_49, %dma_start3A_50] : memref<2x10000x128xf32, #tpu.memory_space<hbm>> -> memref<1x10000x128xf32, #tpu.memory_space<hbm>>
        %dma_start3A_52 = tpu.memref_squeeze %dma_start3A_51 : memref<1x10000x128xf32, #tpu.memory_space<hbm>> -> memref<10000x128xf32, #tpu.memory_space<hbm>>
        %dma_start3A_53 = arith.constant 0 : i32
        %dma_start3A_54 = tpu.memref_slice %dma_start3A_52[%multiple_of3A_23, %dma_start3A_53] : memref<10000x128xf32, #tpu.memory_space<hbm>> -> memref<624x128xf32, #tpu.memory_space<hbm>>
        %dma_start3A_55 = arith.constant 0 : i32
        %dma_start3A_56 = tpu.memref_slice %arg9[%multiple_of3A_23, %dma_start3A_55] : memref<10000x128xf32, #tpu.memory_space<vmem_shared>> -> memref<624x128xf32, #tpu.memory_space<vmem_shared>>
        tpu.enqueue_dma source(%dma_start3A_56 : memref<624x128xf32, #tpu.memory_space<vmem_shared>>) target(%dma_start3A_54 : memref<624x128xf32, #tpu.memory_space<hbm>>) target_semaphore(%run_scoped3A : memref<!tpu.dma_semaphore, #tpu.memory_space<semaphore_mem>>)
        %dma_wait3A = arith.constant 0 : i32
        %dma_wait3A_57 = arith.constant 0 : i32
        %dma_wait3A_58 = tpu.memref_slice %arg5[%arg0, %dma_wait3A, %dma_wait3A_57] : memref<2x10000x128xf32, #tpu.memory_space<hbm>> -> memref<1x10000x128xf32, #tpu.memory_space<hbm>>
        %dma_wait3A_59 = tpu.memref_squeeze %dma_wait3A_58 : memref<1x10000x128xf32, #tpu.memory_space<hbm>> -> memref<10000x128xf32, #tpu.memory_space<hbm>>
        %dma_wait3A_60 = arith.constant 0 : i32
        %dma_wait3A_61 = tpu.memref_slice %dma_wait3A_59[%multiple_of3A_23, %dma_wait3A_60] : memref<10000x128xf32, #tpu.memory_space<hbm>> -> memref<624x128xf32, #tpu.memory_space<hbm>>
        %dma_wait3A_62 = arith.constant 0 : i32
        %dma_wait3A_63 = tpu.memref_slice %arg9[%multiple_of3A_23, %dma_wait3A_62] : memref<10000x128xf32, #tpu.memory_space<vmem_shared>> -> memref<624x128xf32, #tpu.memory_space<vmem_shared>>
        tpu.wait_dma2 semaphore(%run_scoped3A : memref<!tpu.dma_semaphore, #tpu.memory_space<semaphore_mem>>) src(%dma_wait3A_63 : memref<624x128xf32, #tpu.memory_space<vmem_shared>>) dst(%dma_wait3A_61 : memref<624x128xf32, #tpu.memory_space<hbm>>)
        tpu.yield
      }) : () -> ()
    } else {
    }
    %eq3A_44 = arith.constant 15 : i32
    %eq3A_45 = arith.cmpi eq, %arg1, %eq3A_44 : i32
    %convert_element_type3A_46 = arith.extui %eq3A_45 : i1 to i32
    %cond3A_47 = arith.constant 0 : i32
    %cond3A_48 = arith.cmpi ne, %convert_element_type3A_46, %cond3A_47 : i32
    scf.if %cond3A_48 {
      "tpu.region"() ({
        %run_scoped3A = tpu.sem_alloc : memref<!tpu.dma_semaphore, #tpu.memory_space<semaphore_mem>>
        %dma_start3A_49 = arith.constant 0 : i32
        %dma_start3A_50 = arith.constant 0 : i32
        %dma_start3A_51 = tpu.memref_slice %arg5[%arg0, %dma_start3A_49, %dma_start3A_50] : memref<2x10000x128xf32, #tpu.memory_space<hbm>> -> memref<1x10000x128xf32, #tpu.memory_space<hbm>>
        %dma_start3A_52 = tpu.memref_squeeze %dma_start3A_51 : memref<1x10000x128xf32, #tpu.memory_space<hbm>> -> memref<10000x128xf32, #tpu.memory_space<hbm>>
        %dma_start3A_53 = arith.constant 9360 : i32
        %dma_start3A_54 = arith.constant 0 : i32
        %dma_start3A_55 = tpu.memref_slice %dma_start3A_52[%dma_start3A_53, %dma_start3A_54] : memref<10000x128xf32, #tpu.memory_space<hbm>> -> memref<640x128xf32, #tpu.memory_space<hbm>>
        %dma_start3A_56 = arith.constant 9360 : i32
        %dma_start3A_57 = arith.constant 0 : i32
        %dma_start3A_58 = tpu.memref_slice %arg9[%dma_start3A_56, %dma_start3A_57] : memref<10000x128xf32, #tpu.memory_space<vmem_shared>> -> memref<640x128xf32, #tpu.memory_space<vmem_shared>>
        tpu.enqueue_dma source(%dma_start3A_58 : memref<640x128xf32, #tpu.memory_space<vmem_shared>>) target(%dma_start3A_55 : memref<640x128xf32, #tpu.memory_space<hbm>>) target_semaphore(%run_scoped3A : memref<!tpu.dma_semaphore, #tpu.memory_space<semaphore_mem>>)
        %dma_wait3A = arith.constant 0 : i32
        %dma_wait3A_59 = arith.constant 0 : i32
        %dma_wait3A_60 = tpu.memref_slice %arg5[%arg0, %dma_wait3A, %dma_wait3A_59] : memref<2x10000x128xf32, #tpu.memory_space<hbm>> -> memref<1x10000x128xf32, #tpu.memory_space<hbm>>
        %dma_wait3A_61 = tpu.memref_squeeze %dma_wait3A_60 : memref<1x10000x128xf32, #tpu.memory_space<hbm>> -> memref<10000x128xf32, #tpu.memory_space<hbm>>
        %dma_wait3A_62 = arith.constant 9360 : i32
        %dma_wait3A_63 = arith.constant 0 : i32
        %dma_wait3A_64 = tpu.memref_slice %dma_wait3A_61[%dma_wait3A_62, %dma_wait3A_63] : memref<10000x128xf32, #tpu.memory_space<hbm>> -> memref<640x128xf32, #tpu.memory_space<hbm>>
        %dma_wait3A_65 = arith.constant 9360 : i32
        %dma_wait3A_66 = arith.constant 0 : i32
        %dma_wait3A_67 = tpu.memref_slice %arg9[%dma_wait3A_65, %dma_wait3A_66] : memref<10000x128xf32, #tpu.memory_space<vmem_shared>> -> memref<640x128xf32, #tpu.memory_space<vmem_shared>>
        tpu.wait_dma2 semaphore(%run_scoped3A : memref<!tpu.dma_semaphore, #tpu.memory_space<semaphore_mem>>) src(%dma_wait3A_67 : memref<640x128xf32, #tpu.memory_space<vmem_shared>>) dst(%dma_wait3A_64 : memref<640x128xf32, #tpu.memory_space<hbm>>)
        tpu.yield
      }) : () -> ()
    } else {
    }
    return
  }
}

module attributes {stable_mosaic.version = 14 : i64} {
  func.func @_combine_body(%arg0: i32, %arg1: memref<2x1000x128xf32, #tpu.memory_space<vmem>>, %arg2: memref<1000x128xf32, #tpu.memory_space<vmem>>) attributes {dimension_semantics = [#tpu.dimension_semantics<arbitrary>], iteration_bounds = array<i64: 10>, scalar_prefetch = 0 : i64, scratch_operands = 0 : i64, tpu.core_type = #tpu.core_type<tc>, window_params = [{transform_indices = @transform_0, window_bounds = array<i64: 2, 1000, 128>}, {transform_indices = @transform_1, window_bounds = array<i64: 1000, 128>}]} {
    %get3A = arith.constant 0 : index
    %get3A_0 = arith.constant 0 : index
    %get3A_1 = arith.constant 0 : index
    %get3A_2 = vector.load %arg1[%get3A, %get3A_0, %get3A_1] : memref<2x1000x128xf32, #tpu.memory_space<vmem>>, vector<1x1000x128xf32>
    %get3A_3 = vector.shape_cast %get3A_2 : vector<1x1000x128xf32> to vector<1000x128xf32>
    %get3A_4 = arith.constant 1 : index
    %get3A_5 = arith.constant 0 : index
    %get3A_6 = arith.constant 0 : index
    %get3A_7 = vector.load %arg1[%get3A_4, %get3A_5, %get3A_6] : memref<2x1000x128xf32, #tpu.memory_space<vmem>>, vector<1x1000x128xf32>
    %get3A_8 = vector.shape_cast %get3A_7 : vector<1x1000x128xf32> to vector<1000x128xf32>
    %add3A = arith.addf %get3A_3, %get3A_8 : vector<1000x128xf32>
    %mul3A = arith.constant 0.176776692 : f32
    %mul3A_9 = vector.broadcast %mul3A : f32 to vector<1000x128xf32>
    %mul3A_10 = arith.mulf %add3A, %mul3A_9 : vector<1000x128xf32>
    %swap3A = arith.constant 0 : index
    %swap3A_11 = arith.constant 0 : index
    %swap3A_12 = vector.load %arg2[%swap3A, %swap3A_11] : memref<1000x128xf32, #tpu.memory_space<vmem>>, vector<1000x128xf32>
    tpu.vector_store %arg2[%swap3A, %swap3A_11], %mul3A_10 {strides = array<i32>} : memref<1000x128xf32, #tpu.memory_space<vmem>>, vector<1000x128xf32>,
    return
  }
  func.func @transform_0(%arg0: i32) -> (i32, i32, i32) {
    %c0_i32 = arith.constant 0 : i32
    %c0_i32_0 = arith.constant 0 : i32
    %c0_i32_1 = arith.constant 0 : i32
    return %c0_i32, %arg0, %c0_i32_0 : i32, i32, i32
  }
  func.func @transform_1(%arg0: i32) -> (i32, i32) {
    %c0_i32 = arith.constant 0 : i32
    %c0_i32_0 = arith.constant 0 : i32
    return %arg0, %c0_i32 : i32, i32
  }
}

</mosaic_0001>

<sc_bundles>
// kernel: kernel.4.cloned.1.call-start
scs
__scs_entry_jumppad:
0x0: {  	(pc) =	sbr.rel $0x88, $3  }
0x1: {  	(tag) =	ssettag $0x0;
	lr =	simm.s32 $0x1  }
0x2: {  	[smem:$0x3F9F] =	sst lr;
	_ =	strace $0xD0000000  }
0x3: {  	_ = 	snop  }
0x4: {  	_ = 	snop  }
0x5: {  	_ = 	snop  }
0x6: {  	_ = 	snop  }
0x7: {  	_ = 	snop  }
__scs_overlays_trampoline_lowered:
0x8: {  	[smem:$0x3FAE] =	sst s0  }
0x9: {  	[smem:$0x3FAF] =	sst s1  }
0xa: {  	[smem:$0x3FB0] =	sst s2  }
0xb: {  	[smem:$0x3FB1] =	sst s3  }
0xc: {  	[smem:$0x3FB2] =	sst s4  }
0xd: {  	[smem:$0x3FB3] =	sst s5  }
0xe: {  	[smem:$0x3FB4] =	sst s6  }
0xf: {  	[smem:$0x3FB5] =	sst s7  }
0x10: {  	[smem:$0x3FB6] =	sst s8  }
0x11: {  	[smem:$0x3FB7] =	sst s9;
	s0 =	simm.s32 @!p0 $0x0  }
0x12: {  	s1 =	sld [smem:$0x3F9D];
	s0 =	simm.s32 @p0 $0x1  }
0x13: {  	[smem:$0x3FB8] =	sst s0;
	s0 =	simm.s32 @!p1 $0x0  }
0x14: {  	s2 =	sld [smem:$0x3F9C];
	s0 =	simm.s32 @p1 $0x1  }
0x15: {  	[smem:$0x3FB9] =	sst s0;
	s0 =	simm.s32 @!p2 $0x0  }
0x16: {  	s3 =	sld [smem:$0x3FDB];
	s0 =	simm.s32 @p2 $0x1  }
0x17: {  	s4 =	simm.s32 $0x1BF5;
	[smem:$0x3FBB] =	sst s0  }
0x18: {  	s0 =	sld [smem:$0x3F9E];
	_ =	swait.ge [sflag:s4], $0x0  }
0x19: {  	s7 =	sld [smem:$0x3F9F]  }
0x1a: {  	s8 =	sadd.s32 $0xFFFFE003, lr  }
0x1b: {  	s9 =	sadd.s32 $0xFFFFFEF7, lr;
	s5 =	simm.s32 $0xFFFFFFFF;
	p2 =	slt.u32 s8, $0xFFFFF086  }
0x1c: {  	p1 =	slt.u32 s9, $0xF7A;
	s5 =	simm.s32 @!p2 $0x0  }
0x1d: {  	s5 =	simm.s32 @p1 $0x1;
	p0 =	seq.s32 s7, s2  }
0x1e: {  	s7 =	smul.u32 @!p0 $0xF7A, s2;
	p2 =	seq.s32 @!p0 s5, $0x0  }
0x1f: {  	s9 =	smul.u32 $0xF7A, s1;
	s8 =	simm.s32 @!p0 $0x1BF5;
	p2 =	por !p2, p0  }
0x20: {  	[sflag:s8] =	ssyncset.s32 @!p0 $0xFFFFF086;
	s6 =	sadd.s32 @!p0 s3, s7;
	s7 =	simm.s32 @!p0 $0x108  }
0x21: {  	s3 =	sadd.s32 s3, s9;
	s6 =	sadd.s32 @!p0 $0x88, s6;
	s7 =	simm.s32 @p2 $0x1082  }
0x22: {  	[simem:s7], [sflag:s8] =	dma.local @!p0 [hbm:s6], $0xF7A  }
0x23: {  	s9 =	sor.u32 $0xD0000000, s2;
	s6 =	simm.s32 $0x108;
	_ =	swait.ge @!p0 [sflag:s8], $0x0  }
0x24: {  	s3 =	sadd.s32 $0x88, s3;
	s6 =	simm.s32 @!p1 $0x1082;
	[sflag:s4] =	ssyncset.s32 $0xFFFFF086  }
0x25: {  	[simem:s6], [sflag:s4] =	dma.local [hbm:s3], $0xF7A  }
0x26: {  	[smem:$0x3F9F] =	sst s1;
	(tag) =	ssettag s2;
	_ =	strace s9  }
0x27: {  	s1 =	sld [smem:$0x3FAF]  }
0x28: {  	s2 =	sld [smem:$0x3FB0]  }
0x29: {  	s4 =	sld [smem:$0x3FB2]  }
0x2a: {  	p0 =	seq.s32 s5, $0x0;
	s5 =	sld [smem:$0x3FB3]  }
0x2b: {  	s6 =	sld [smem:$0x3FB4]  }
0x2c: {  	s7 =	sld [smem:$0x3FB5]  }
0x2d: {  	s3 =	simm.s32 $0x108;
	s8 =	sld [smem:$0x3FB6]  }
0x2e: {  	s3 =	simm.s32 @!p0 $0x1082;
	s9 =	sld [smem:$0x3FB7]  }
0x2f: {  	lr =	sadd.s32 s0, s3;
	s0 =	sld [smem:$0x3FAE]  }
0x30: {  	s3 =	sld [smem:$0x3FB1]  }
0x31: {  	[smem:$0x3FBA] =	sst s10  }
0x32: {  	s10 =	sld [smem:$0x3FB8];
	_ =	sdelay $0x3  }
0x33: {  	p0 =	seq.s32 s10, $0x1;
	s10 =	sld [smem:$0x3FBA];
	_ =	sdelay $0x3  }
0x34: {  	[smem:$0x3FBA] =	sst s10  }
0x35: {  	s10 =	sld [smem:$0x3FB9];
	_ =	sdelay $0x3  }
0x36: {  	p1 =	seq.s32 s10, $0x1;
	s10 =	sld [smem:$0x3FBA];
	_ =	sdelay $0x3  }
0x37: {  	[smem:$0x3FBA] =	sst s10  }
0x38: {  	s10 =	sld [smem:$0x3FBB]  }
0x39: {  	_ = 	snop;
	(pc) =	sbr.ind lr, $3  }
0x3a: {  	_ = 	snop  }
0x3b: {  	_ = 	snop  }
0x3c: {  	p2 =	seq.s32 s10, $0x1;
	s10 =	sld [smem:$0x3FBA]  }
0x3d: {  	_ =	shalt  }
0x3e: {  	_ =	shalt  }
0x3f: {  	_ =	shalt  }
0x40: {  	_ =	shalt  }
0x41: {  	_ =	shalt  }
0x42: {  	_ =	shalt  }
0x43: {  	_ =	shalt  }
0x44: {  	_ =	shalt  }
0x45: {  	_ =	shalt  }
0x46: {  	_ =	shalt  }
0x47: {  	_ =	shalt  }
0x48: {  	_ =	shalt  }
0x49: {  	_ =	shalt  }
0x4a: {  	_ =	shalt  }
0x4b: {  	_ =	shalt  }
0x4c: {  	_ =	shalt  }
0x4d: {  	_ =	shalt  }
0x4e: {  	_ =	shalt  }
0x4f: {  	_ =	shalt  }
0x50: {  	_ =	shalt  }
0x51: {  	_ =	shalt  }
0x52: {  	_ =	shalt  }
0x53: {  	_ =	shalt  }
0x54: {  	_ =	shalt  }
0x55: {  	_ =	shalt  }
0x56: {  	_ =	shalt  }
0x57: {  	_ =	shalt  }
0x58: {  	_ =	shalt  }
0x59: {  	_ =	shalt  }
0x5a: {  	_ =	shalt  }
0x5b: {  	_ =	shalt  }
0x5c: {  	_ =	shalt  }
0x5d: {  	_ =	shalt  }
0x5e: {  	_ =	shalt  }
0x5f: {  	_ =	shalt  }
0x60: {  	_ =	shalt  }
0x61: {  	_ =	shalt  }
0x62: {  	_ =	shalt  }
0x63: {  	_ =	shalt  }
0x64: {  	_ =	shalt  }
0x65: {  	_ =	shalt  }
0x66: {  	_ =	shalt  }
0x67: {  	_ =	shalt  }
0x68: {  	_ =	shalt  }
0x69: {  	_ =	shalt  }
0x6a: {  	_ =	shalt  }
0x6b: {  	_ =	shalt  }
0x6c: {  	_ =	shalt  }
0x6d: {  	_ =	shalt  }
0x6e: {  	_ =	shalt  }
0x6f: {  	_ =	shalt  }
0x70: {  	_ =	shalt  }
0x71: {  	_ =	shalt  }
0x72: {  	_ =	shalt  }
0x73: {  	_ =	shalt  }
0x74: {  	_ =	shalt  }
0x75: {  	_ =	shalt  }
0x76: {  	_ =	shalt  }
0x77: {  	_ =	shalt  }
0x78: {  	_ =	shalt  }
0x79: {  	_ =	shalt  }
0x7a: {  	_ =	shalt  }
0x7b: {  	_ =	shalt  }
0x7c: {  	_ =	shalt  }
0x7d: {  	_ =	shalt  }
0x7e: {  	_ =	shalt  }
0x7f: {  	_ =	shalt  }
0x80: {  	_ =	shalt  }
0x81: {  	_ =	shalt  }
0x82: {  	_ =	shalt  }
0x83: {  	_ =	shalt  }
0x84: {  	_ =	shalt  }
0x85: {  	_ =	shalt  }
0x86: {  	_ =	shalt  }
0x87: {  	_ =	shalt  }
.Lfunc_end0:
.L_simem_size_0:
called_computation_lowered:
.L_overlay_start_0:
0x88: {  	s2 =	sld [smem:$0x3FD9]  }
0x89: {  	s3 =	sld [smem:$0x3FFE];
	_ =	sdelay $0x1  }
0x8a: {  	s1 =	srdreg.scid  }
0x8b: {  	s0 =	sand.u32 $0x1, s1  }
0x8c: {  	s17 =	sshll.u32 s0, $0xA;
	s2 =	sadd.s32 s3, s2  }
0x8d: {  	s2 =	sadd.s32 s2, s17  }
0x8e: {  	[smem:$0x3FC6] =	sst s2  }
0x8f: {  	_ = 	snop  }
0x90: {  	s2 =	sld [smem:$0x3FC9]  }
0x91: {  	s18 =	sld [smem:$0x3FC8]  }
0x92: {  	s4 =	sld [smem:$0x3FD0];
	(tm) =	ssettm $0x1  }
0x93: {  	s5 =	sld [smem:$0x3FFB];
	_ =	sdelay $0x3  }
0x94: {  	_ =	strace s5  }
0x95: {  	s5 =	sld [smem:$0x3FFC];
	_ =	sdelay $0x3  }
0x96: {  	_ =	strace s5  }
0x97: {  	s5 =	sld [smem:$0x3FFD];
	_ =	sdelay $0x3  }
0x98: {  	_ =	strace s5  }
0x99: {  	_ =	strace $0x8FFFFFFF  }
0x9a: {  	s19 =	sld [smem:$0x3FDB];
	_ =	sdelay $0x1  }
0x9b: {  	s6 =	simm.s32 $_scs_section_size  }
0x9c: {  	s7 =	simm.s32 $_size__tile_overlayer_lowered;
	s8 =	simm.s32 $_tile_overlayer_lowered  }
0x9d: {  	s22 =	simm.s32 $0x1BFF;
	s21 =	sshll.u32 s8, $0x1;
	s5 =	sadd.s32 s6, s19  }
0x9e: {  	s9 =	simm.s32 $0x0;
	s20 =	sshll.u32 s7, $0x1;
	s7 =	sadd.s32 s21, s5  }
0x9f: {  	[timem:s9], [sflag:s22] =	dma.local [hbm:s7], s20  }
0xa0: {  	_ =	swait.ge [sflag:s22], s20  }
0xa1: {  	s6 =	ssub.s32 $0x0, s20;
	[sflag:s22] =	ssyncset.done $0x0  }
0xa2: {  	[sflag:s22] =	ssyncadd.s32 s6;
	_ =	sdelay $0x1  }
0xa3: {  	s23 =	simm.s32 $0x1B8B  }
0xa4: {  	_ =	swait.ge [sflag:s23], $0x1  }
0xa5: {  	[sflag:s23] =	ssyncset.done $0x0  }
0xa6: {  	s25 =	simm.s32 $0x1B8E;
	s24 =	sld [smem:$0x3FFE];
	[sflag:s23] =	ssyncadd.s32 $0xFFFFFFFF  }
0xa7: {  	s26 =	simm.s32 $execute0_lowered;
	[smem:$0x3FD2] =	sst s25  }
0xa8: {  	s7 =	sshll.u32 s26, $0x1;
	_ =	strace $0x80000046;
	[dreg:$0x1] =	wrdreg $0xFFFFFFFF  }
0xa9: {  	s28 =	simm.s32 $_size_execute0_lowered;
	s5 =	sadd.s32 s5, s7;
	[dreg:$0x0] =	wrdreg $0x0  }
0xaa: {  	s7 =	sshll.u32 s28, $0x1;
	[dreg:$0x2] =	wrdreg s5  }
0xab: {  	[dreg:$0x3] =	wrdreg s7  }
0xac: {  	[dreg:$0x4] =	wrdreg $0xC0  }
0xad: {  	_ =	task [dreg:s9], $0x5FFFF  }
0xae: {  	[dreg:$0x1] =	wrdreg $0xFFFFFFFF  }
0xaf: {  	[dreg:$0x0] =	wrdreg $0x60  }
0xb0: {  	[dreg:$0x2] =	wrdreg s2  }
0xb1: {  	[dreg:$0x3] =	wrdreg s18  }
0xb2: {  	[dreg:$0x4] =	wrdreg s4  }
0xb3: {  	[dreg:$0x5] =	wrdreg s24  }
0xb4: {  	[dreg:$0x6] =	wrdreg $0xA8000  }
0xb5: {  	[dreg:$0x7] =	wrdreg $0x9  }
0xb6: {  	_ =	task.clear_ibuf [dreg:s9], $0x8FFFF;
	_ =	strace $0x90000046  }
0xb7: {  	s29 =	simm.s32 $0x9;
	_ =	strace $0x80000048  }
0xb8: {  	_ =	swait.ge [sflag:s29], $0x1  }
0xb9: {  	[sflag:s29] =	ssyncadd.s32 $0xFFFFFFFF  }
0xba: {  	_ =	strace $0x90000048  }
0xbb: {  	_ =	sfence  }
0xbc: {  	s30 =	sld [smem:$0x0];
	_ =	sdelay $0x2  }
0xbd: {  	s31 =	sshll.u32 s1, $0xD;
	s1 =	sshrl.u32 s1, $0x2  }
0xbe: {  	s3 =	sand.u32 $0x4000, s31;
	s1 =	sadd.s32 s1, s30  }
0xbf: {  	s0 =	sor.u32 s3, s0;
	s1 =	sshll.u32 s1, $0x11  }
0xc0: {  	s0 =	sor.u32 s1, s0  }
0xc1: {  	s0 =	sadd.s32 $0x8F2B, s0  }
0xc2: {  	[sflag:s0] =	ssyncadd.remote.s32 $0x1  }
0xc3: {  	_ =	sfence.sel $0xFFFF  }
0xc4: {  	[dreg:$0x0] =	wrdreg $0xFFFFFFFF;
	(pc) =	sbr.abs _section_cstart, $3  }
0xc5: {  	[dreg:$0x1] =	wrdreg $0xFFFFFFFF  }
0xc6: {  	_ =	task.clear_ibuf [dreg:s9], $0x2FFFF;
	_ =	strace $0x9FFFFFFF  }
0xc7: {  	(tm) =	ssettm $0x7FFFFFFF  }
tec
execute0_lowered:
.L_overlay_start_1:
0x0: {  	(tag) =	ssettag $0x1  }
0x1: {  	s15 =	rddreg [dreg:$0x0]  }
0x2: {  	s8 =	rddreg [dreg:$0x1]  }
0x3: {  	s11 =	rddreg [dreg:$0x2]  }
0x4: {  	s4 =	rddreg [dreg:$0x3];
	s2 =	srdreg.scid  }
0x5: {  	s1 =	rddreg [dreg:$0x4];
	s9 =	sand.u32 $0x1, s2  }
0x6: {  	s3 =	simm.s32 $0x0;
	s2 =	stileid.u32;
	s6 =	smul.u32 $0x27100, s9  }
0x7: {  	s20 =	simm.s32 $0x0;
	[smem:$0x7FF] =	sst s3;
	s28 =	smul.u32 $0x4E000, s2  }
0x8: {  	s17 =	sadd.s32 $0x124800, s1;
	s5 =	sshll.u32 s9, $0x4;
	s29 =	smul.u32 $0x1400000, s9  }
0x9: {  	_ =	strace $0x80000047;
	s7 =	ssub.s32 $0x2, s9;
	s16 =	smul.u32 $0x140000, s2  }
0xa: {  	p1 =	seq.s32 s2, $0xF;
	s5 =	sor.u32 s2, s5;
	s26 =	sshrl.u32 s7, $0x1  }
0xb: {  	s17 =	sshrl.u32 @p1 s17, $0x3;
	s10 =	smul.u32 $0x28000, s5;
	s12 =	sadd.s32 s6, s4  }
0xc: {  	s13 =	smul.u32 $0x500, s5;
	s14 =	ssub.s32 s7, s26;
	p0 =	seq.s32 s5, $0x1F  }
0xd: {  	s6 =	smul.u32 $0x2700, s2;
	s12 =	sadd.s32 $0x600, s12;
	s4 =	sadd.s32 s15, s10  }
0xe: {  	s7 =	sadd.s32 s8, s13;
	s10 =	sshrl.u32 s28, $0x2;
	s8 =	sadd.s32 $0x9B00, s8  }
0xf: {  	s9 =	sadd.s32 s11, s6;
	s11 =	sadd.s32 $0x24900, s11;
	s13 =	sadd.s32 s16, s29  }
0x10: {  	s5 =	sadd.s32 $0x800, s4;
	s19 =	sadd.s32 s10, s1;
	s10 =	simm.s32 $0x14  }
0x11: {  	s16 =	sor.u32 $0x8000, s13;
	s18 =	sor.u32 $0xC000, s13;
	s13 =	smax.u32 s14, $0x1  }
0x12: {  	s10 =	simm.s32 @!p0 $0x50;
	s30 =	sshrl.u32 s16, $0x3;
	s31 =	sshrl.u32 s18, $0x3  }
0x13: {  	s16 =	simm.s32 $0x4000;
	s18 =	sshll.u32 @!p1 s2, $0x6;
	s19 =	sshrl.u32 @!p1 s19, $0x3  }
0x14: {  	s14 =	sadd.s32 s30, s15;
	s15 =	sadd.s32 s31, s15;
	s18 =	sor.u32 @!p1 $0x1C03, s18  }
.LBB2_1:
0x15: {  	[tilespmem:s3], [sflag:$0x1] =	stream.linear.gather [hbm4b:s4+s3], $0x4000, $0x38;
	[tilespmem:$0x1E080] =	vst v63  }
0x16: {  	_ = 	snop  }
0x17: {  	[tilespmem:s16], [sflag:$0x2] =	stream.linear.gather [hbm4b:s5+s3], $0x4000, $0x38;
	[tilespmem:$0x1E080] =	vst v63  }
0x18: {  	s21 =	simm.s32 @p0 $0x0;
	s22 =	simm.s32 @p0 $0x8000  }
0x19: {  	[tilespmem:s22], [sflag:$0x3] =	stream.linear.gather @p0 [hbm4b:s8+s21], $0xA00, $0x38;
	[tilespmem:$0x1E080] =	vst v63  }
0x1a: {  	s21 =	simm.s32 @p0 $0x3  }
0x1b: {  	_ =	swait.ge @p0 [sflag:s21], $0xA00  }
0x1c: {  	[sflag:s21] =	ssyncset.done @p0 $0x0  }
0x1d: {  	s22 =	simm.s32 @!p0 $0x8000;
	[sflag:s21] =	ssyncadd.s32 @p0 $0xFFFFF600;
	s21 =	simm.s32 @!p0 $0x0  }
0x1e: {  	[tilespmem:s22], [sflag:$0x3] =	stream.linear.gather @!p0 [hbm4b:s7+s21], $0x2800, $0x38;
	[tilespmem:$0x1E080] =	vst v63  }
0x1f: {  	s21 =	simm.s32 @!p0 $0x3  }
0x20: {  	_ =	swait.ge @!p0 [sflag:s21], $0x2800  }
0x21: {  	[sflag:s21] =	ssyncset.done @!p0 $0x0  }
0x22: {  	[sflag:s21] =	ssyncadd.s32 @!p0 $0xFFFFD800;
	s21 =	simm.s32 @p1 $0x1FC3  }
0x23: {  	[spmem:s17], [sflag:s21] =	dma.local @p1 [hbm:s11], $0x2800  }
0x24: {  	s21 =	simm.s32 @p1 $0x3  }
0x25: {  	_ =	swait.ge @p1 [sflag:s21], $0x2800  }
0x26: {  	[sflag:s21] =	ssyncset.done @p1 $0x0  }
0x27: {  	[sflag:s21] =	ssyncadd.s32 @p1 $0xFFFFD800;
	s21 =	simm.s32 @!p1 $0x3  }
0x28: {  	[spmem:s19], [sflag:s18] =	dma.local @!p1 [hbm:s9], $0x2700  }
0x29: {  	_ =	swait.ge @!p1 [sflag:s21], $0x2700  }
0x2a: {  	[sflag:s21] =	ssyncset.done @!p1 $0x0  }
0x2b: {  	p2 =	sle.u32 s10, $0x0;
	[sflag:s21] =	ssyncadd.s32 @!p1 $0xFFFFD900  }
0x2c: {  	s21 =	simm.s32 @!p2 $0x1;
	[bflag:$0x0] =	sbarrier.arrive $0xFFFF  }
0x2d: {  	s23 =	simm.s32 @!p2 $0x3;
	_ =	swait.ge @!p2 [sflag:s21], $0x4000  }
0x2e: {  	s24 =	simm.s32 @!p2 $0x0;
	p3 =	sle.u32 @!p2 s10, $0x2;
	[sflag:s21] =	ssyncset.done @!p2 $0x0  }
0x2f: {  	s22 =	simm.s32 $0x8000;
	[sflag:s21] =	ssyncadd.s32 @!p2 $0xFFFFC000;
	s21 =	simm.s32 @!p2 $0x80  }
0x30: {  	[spmem:s1] =	stream.indirect.scatter.add.f32 @!p2 [tilespmem:s24], [sflag:$0x3], $0x80, s22, s21, $0xb8;
	[tilespmem:$0x1E080] =	vst v63  }
0x31: {  	p3 =	por p3, p2;
	_ =	swait.ge @!p2 [sflag:s23], $0x4000  }
0x32: {  	s21 =	simm.s32 @!p3 $0x0;
	[sflag:s23] =	ssyncset.done @!p2 $0x0  }
0x33: {  	s22 =	sadd.s32 $0x1000, s15;
	[sflag:s23] =	ssyncadd.s32 @!p2 $0xFFFFC000;
	p2 =	sle.u32 s10, $0x1  }
0x34: {  	[tilespmem:s21], [sflag:$0x1] =	stream.linear.gather @!p3 [hbm4b:s14+s21], $0x4000, $0x38;
	[tilespmem:$0x1E080] =	vst v63  }
0x35: {  	s23 =	sadd.s32 $0x1000, s14;
	s21 =	simm.s32 $0x2;
	s24 =	simm.s32 @!p2 $0x2  }
0x36: {  	s25 =	simm.s32 @!p2 $0x80;
	s28 =	simm.s32 @!p2 $0x4000;
	_ =	swait.ge @!p2 [sflag:s24], $0x4000  }
0x37: {  	s29 =	simm.s32 @!p2 $0x8080;
	p3 =	sle.u32 @!p2 s10, $0x3;
	[sflag:s24] =	ssyncset.done @!p2 $0x0  }
0x38: {  	s26 =	simm.s32 @!p2 $0x3;
	p5 =	por p3, p2;
	[sflag:s24] =	ssyncadd.s32 @!p2 $0xFFFFC000  }
0x39: {  	[spmem:s1] =	stream.indirect.scatter.add.f32 @!p2 [tilespmem:s28], [sflag:$0x3], $0x80, s29, s25, $0xb8;
	[tilespmem:$0x1E080] =	vst v63  }
0x3a: {  	s24 =	simm.s32 $0x8100;
	s28 =	simm.s32 @!p5 $0x0;
	_ =	swait.ge @!p2 [sflag:s26], $0x4000  }
0x3b: {  	s29 =	simm.s32 @!p5 $0x4000;
	s25 =	smov.u32 s15;
	[sflag:s26] =	ssyncset.done @!p2 $0x0  }
.LBB2_2:
0x3c: {  	p4 =	sge.u32 s21, s10  }
0x3d: {  	[sflag:s26] =	ssyncadd.s32 @!p2 $0xFFFFC000;
	s26 =	smov.u32 s21;
	s21 =	sadd.s32 $0x2, s21  }
0x3e: {  	[tilespmem:s29], [sflag:$0x2] =	stream.linear.gather @!p5 [hbm4b:s25+s28], $0x4000, $0x38;
	[tilespmem:$0x1E080] =	vst v63  }
0x3f: {  	s28 =	simm.s32 @!p4 $0x1;
	s25 =	sadd.s32 @!p4 $0x2, s26;
	p3 =	sne.s32 s21, $0x50  }
0x40: {  	p2 =	sge.u32 @!p4 s25, s10;
	s25 =	smov.u32 s22;
	_ =	swait.ge @!p4 [sflag:s28], $0x4000  }
0x41: {  	s29 =	simm.s32 @!p4 $0x3;
	p5 =	por p2, p4;
	[sflag:s28] =	ssyncset.done @!p4 $0x0  }
0x42: {  	s30 =	simm.s32 @!p4 $0x0;
	[sflag:s28] =	ssyncadd.s32 @!p4 $0xFFFFC000;
	s28 =	simm.s32 @!p4 $0x80  }
0x43: {  	[spmem:s1] =	stream.indirect.scatter.add.f32 @!p4 [tilespmem:s30], [sflag:$0x3], $0x80, s24, s28, $0xb8;
	[tilespmem:$0x1E080] =	vst v63  }
0x44: {  	_ =	swait.ge @!p4 [sflag:s29], $0x4000  }
0x45: {  	s22 =	sadd.s32 $0x1000, s22;
	s28 =	sadd.s32 $0x1, s26;
	[sflag:s29] =	ssyncset.done @!p4 $0x0  }
0x46: {  	p2 =	sge.u32 s28, s10;
	[sflag:s29] =	ssyncadd.s32 @!p4 $0xFFFFC000;
	s29 =	simm.s32 @!p5 $0x0  }
0x47: {  	[tilespmem:s29], [sflag:$0x1] =	stream.linear.gather @!p5 [hbm4b:s23+s29], $0x4000, $0x38;
	[tilespmem:$0x1E080] =	vst v63  }
0x48: {  	s28 =	simm.s32 @!p2 $0x2;
	s29 =	sadd.s32 @!p2 $0x3, s26;
	s23 =	sadd.s32 $0x1000, s23  }
0x49: {  	s30 =	simm.s32 @!p2 $0x80;
	s31 =	simm.s32 @!p2 $0x4000;
	_ =	swait.ge @!p2 [sflag:s28], $0x4000  }
.Ltmp0:
0x4a: {  	s0 =	sadd.s32 @!p2 $0x80, s24;
	[sflag:s28] =	ssyncset.done @!p2 $0x0;
	(pc) =	sbr.rel @p3 .LBB2_2-.Ltmp0, $4  }
0x4b: {  	s26 =	simm.s32 @!p2 $0x3;
	p4 =	sge.u32 @!p2 s29, s10;
	[sflag:s28] =	ssyncadd.s32 @!p2 $0xFFFFC000  }
0x4c: {  	[spmem:s1] =	stream.indirect.scatter.add.f32 @!p2 [tilespmem:s31], [sflag:$0x3], $0x80, s0, s30, $0xb8;
	[tilespmem:$0x1E080] =	vst v63  }
0x4d: {  	s24 =	sadd.s32 $0x100, s24;
	p5 =	por p4, p2;
	_ =	swait.ge @!p2 [sflag:s26], $0x4000  }
0x4e: {  	s29 =	simm.s32 @!p5 $0x4000;
	s28 =	simm.s32 @!p5 $0x0;
	[sflag:s26] =	ssyncset.done @!p2 $0x0  }
0x4f: {  	[sflag:s26] =	ssyncadd.s32 @!p2 $0xFFFFC000  }
0x50: {  	[tilespmem:s29], [sflag:$0x2] =	stream.linear.gather @!p5 [hbm4b:s25+s28], $0x4000, $0x38;
	[tilespmem:$0x1E080] =	vst v63  }
0x51: {  	s0 =	sadd.s32 @p1 $0x24900, s12;
	s21 =	simm.s32 @p1 $0x1FC3;
	[bflag:$0x0] =	sbarrier.arrive $0xFFFF  }
0x52: {  	[hbm:s0], [sflag:s21] =	dma.local @p1 [spmem:s17], $0x2800  }
0x53: {  	s0 =	simm.s32 @p1 $0x3  }
0x54: {  	_ =	swait.ge @p1 [sflag:s0], $0x2800  }
0x55: {  	s20 =	sadd.s32 $0x1, s20;
	[sflag:s0] =	ssyncset.done @p1 $0x0  }
0x56: {  	p2 =	sne.s32 s20, s13;
	[sflag:s0] =	ssyncadd.s32 @p1 $0xFFFFD800;
	s0 =	sadd.s32 @!p1 s6, s12  }
0x57: {  	[hbm:s0], [sflag:s18] =	dma.local @!p1 [spmem:s19], $0x2700  }
.Ltmp1:
0x58: {  	_ = 	snop;
	(pc) =	sbr.rel @p2 .LBB2_1-.Ltmp1, $4  }
0x59: {  	s0 =	simm.s32 @!p1 $0x3  }
0x5a: {  	_ =	swait.ge @!p1 [sflag:s0], $0x2700  }
0x5b: {  	[sflag:s0] =	ssyncset.done @!p1 $0x0  }
0x5c: {  	[sflag:s0] =	ssyncadd.s32 @!p1 $0xFFFFD900  }
0x5d: {  	_ =	sfence.sel $0x180000  }
0x5e: {  	[bflag:$0x0] =	sbarrier.arrive $0xFFFF  }
0x5f: {  	_ =	strace $0x90000047  }
0x60: {  	[bflag:$0x2] =	sbarrier.arrive $0xFFFF  }
0x61: {  	p0 =	sne.s32 s2, $0x0;
	s0 =	rddreg [dreg:$0x5]  }
0x62: {  	s0 =	sadd.s32 @!p0 $0x100000, s0  }
0x63: {  	[sflag:s0] =	ssyncadd.tile.s32 @!p0 $0x1;
	_ =	shalt  }
.Lfunc_end2:
_tile_overlayer_lowered:
.L_overlay_start_2:
0x64: {  	(tag) =	ssettag $0x2  }
0x65: {  	s0 =	rddreg [dreg:$0x0];
	s2 =	stileid.u32  }
0x66: {  	s1 =	rddreg [dreg:$0x1];
	p0 =	sne.s32 s2, $0x0  }
0x67: {  	s3 =	rddreg [dreg:$0x2];
	[bflag:$0x3] =	sbarrier.arrive $0xFFFF;
	s2 =	simm.s32 @!p0 $0x1C03  }
0x68: {  	[timem:s3], [sflag:s2] =	dma.local @!p0 [hbm:s0], s1  }
0x69: {  	s0 =	simm.s32 @!p0 $0x3  }
0x6a: {  	_ =	swait.ge @!p0 [sflag:s0], s1  }
0x6b: {  	s1 =	ssub.s32 @!p0 $0x0, s1;
	[sflag:s0] =	ssyncset.done @!p0 $0x0  }
0x6c: {  	[sflag:s0] =	ssyncadd.s32 @!p0 s1  }
0x6d: {  	[bflag:$0x3] =	sbarrier.arrive $0xFFFF  }
0x6e: {  	_ =	shalt  }

</sc_bundles>
